<compile_context>
chip_gen: v7x
topology: tpu7x:2x2x1
jax: 0.10.2.dev20260603
libtpu: 0.0.44.dev20260713+nightly
codegen_flags: <defaults>
</compile_context>

<pallas_src>
import functools

import jax
import jax.numpy as jnp
from jax import lax
from jax.experimental import pallas as pl
from jax.experimental.pallas import tpu as pltpu
from jax.experimental.pallas import tpu_sc as plsc


def _sc_gather(uid, iid, ut, it):
    B = uid.shape[0]
    D = ut.shape[1]
    info = plsc.get_sparse_core_info()
    NC, NS = info.num_cores, info.num_subcores
    NW = NC * NS
    BPW = B // NW
    CH = 128

    mesh = plsc.VectorSubcoreMesh(core_axis_name="c", subcore_axis_name="s")

    @functools.partial(
        pl.kernel,
        mesh=mesh,
        compiler_params=pltpu.CompilerParams(use_tc_tiling_on_sc=False),
        out_type=[jax.ShapeDtypeStruct((B, D), jnp.float32)] * 2,
        scratch_types=[
            pltpu.VMEM((BPW,), jnp.int32),
            pltpu.VMEM((BPW,), jnp.int32),
            pltpu.VMEM((BPW, D), jnp.float32),
            pltpu.VMEM((BPW, D), jnp.float32),
            pltpu.SemaphoreType.DMA,
        ],
    )
    def gather_k(uid_hbm, iid_hbm, ut_hbm, it_hbm,
                 o_u, o_i,
                 uid_v, iid_v, bu, bi, sem):
        wid = lax.axis_index("s") * NC + lax.axis_index("c")
        base = wid * BPW
        pltpu.sync_copy(uid_hbm.at[pl.ds(base, BPW)], uid_v)
        pltpu.sync_copy(iid_hbm.at[pl.ds(base, BPW)], iid_v)
        copies = []
        for c in range(BPW // CH):
            s = pl.ds(c * CH, CH)
            copies.append(pltpu.async_copy(ut_hbm.at[uid_v.at[s]], bu.at[s], sem))
            copies.append(pltpu.async_copy(it_hbm.at[iid_v.at[s]], bi.at[s], sem))
        for cp in copies:
            cp.wait()
        pltpu.sync_copy(bu, o_u.at[pl.ds(base, BPW)])
        pltpu.sync_copy(bi, o_i.at[pl.ds(base, BPW)])

    return gather_k(uid, iid, ut, it)


def _dense_body(u_r, i_r, w1a_r, w1b_r, b1_r, w2_r, b2_r,
                w3_r, b3_r, w4_r, b4_r, wg_r, wm_r, bo_r, o_r):
    f32 = jnp.float32
    P = w1a_r.shape[0]
    mu = u_r[:, :P]
    mi = i_r[:, :P]
    g = u_r[:, P:2 * P] * i_r[:, P:2 * P]
    h = jnp.maximum(
        jnp.dot(mu, w1a_r[...], preferred_element_type=f32)
        + jnp.dot(mi, w1b_r[...], preferred_element_type=f32)
        + b1_r[...], 0.0)
    h = jnp.maximum(jnp.dot(h, w2_r[...], preferred_element_type=f32) + b2_r[...], 0.0)
    h = jnp.maximum(jnp.dot(h, w3_r[...], preferred_element_type=f32) + b3_r[...], 0.0)
    h = jnp.maximum(jnp.dot(h, w4_r[...], preferred_element_type=f32) + b4_r[...], 0.0)
    logit = (jnp.dot(g, wg_r[...], preferred_element_type=f32)
             + jnp.dot(h, wm_r[...], preferred_element_type=f32)
             + bo_r[...])
    o_r[...] = jax.nn.sigmoid(logit)[:, 0]


def _dense(u, i, w1a, w1b, b1, w2, b2, w3, b3, w4, b4, wg, wm, bo):
    B, D = u.shape
    BLK = 4096
    grid = (B // BLK,)

    def rowblk():
        return pl.BlockSpec((BLK, D), lambda k: (k, 0))

    def full(a):
        return pl.BlockSpec(a.shape, lambda k: (0,) * a.ndim)

    return pl.pallas_call(
        _dense_body,
        grid=grid,
        in_specs=[rowblk(), rowblk(),
                  full(w1a), full(w1b), full(b1), full(w2), full(b2),
                  full(w3), full(b3), full(w4), full(b4),
                  full(wg), full(wm), full(bo)],
        out_specs=pl.BlockSpec((BLK,), lambda k: (k,)),
        out_shape=jax.ShapeDtypeStruct((B,), jnp.float32),
    )(u, i, w1a, w1b, b1, w2, b2, w3, b3, w4, b4, wg, wm, bo)


def kernel(x, mlp_user_emb, mlp_item_emb, gmf_user_emb, gmf_item_emb,
           W1, b1, W2, b2, W3, b3, W4, b4, Wout, bout):
    V, P = mlp_user_emb.shape
    ut = jnp.concatenate([mlp_user_emb, gmf_user_emb], axis=1)
    it = jnp.concatenate([mlp_item_emb, gmf_item_emb], axis=1)
    uid = x[:, 0]
    iid = x[:, 1]
    gu, gi = _sc_gather(uid, iid, ut, it)
    return _dense(gu, gi,
                  W1[:P], W1[P:], b1[None, :], W2, b2[None, :],
                  W3, b3[None, :], W4, b4[None, :],
                  Wout[:P], Wout[P:], bout[None, :])

# --- scband reference (transcript-rebuilt; emitter-appended) ---
"""Pipeline reference for scband-neural-collaborative-filtering-11793980195212 (READ-ONLY COPY).

The authoritative reference and input builder live on the scoring server;
editing this copy changes nothing except your own understanding.
"""

import jax, jax.numpy as jnp
import numpy as np

U = 100000
I = 100000
P = 12
B = 16384

def _glorot(key, shape):
    fan_in, fan_out = shape[0], shape[1]
    limit = jnp.sqrt(6.0 / (fan_in + fan_out))
    return jax.random.uniform(key, shape, minval=-limit, maxval=limit, dtype=jnp.float32)

def setup_inputs(seed: int = 0) -> dict:
    key = jax.random.key(seed)
    ks = jax.random.split(key, 20)
    x = jax.random.randint(ks[0], (B, 2), 0, U, dtype=jnp.int32)
    mlp_user_emb = _glorot(ks[1], (U, P))
    mlp_item_emb = _glorot(ks[2], (I, P))
    gmf_user_emb = _glorot(ks[3], (U, P))
    gmf_item_emb = _glorot(ks[4], (I, P))
    # MLP: Linear(2P,48) -> ReLU -> Linear(48,24) -> ReLU -> Linear(24,12) -> ReLU -> Linear(12,6) -> ReLU
    W1 = _glorot(ks[5], (2 * P, 48)); b1 = jnp.zeros((48,), jnp.float32)
    W2 = _glorot(ks[6], (48, 24));    b2 = jnp.zeros((24,), jnp.float32)
    W3 = _glorot(ks[7], (24, 12));    b3 = jnp.zeros((12,), jnp.float32)
    W4 = _glorot(ks[8], (12, 6));     b4 = jnp.zeros((6,), jnp.float32)
    # join_output_weights: Wout = cat(0.5 * gmf_out.weight [1,P], 0.5 * mlp_out.weight [1,6]) -> [1, P+6]
    gmf_out_w = _glorot(ks[9], (1, P))
    mlp_out_w = _glorot(ks[10], (1, 6))
    Wout = jnp.concatenate([0.5 * gmf_out_w, 0.5 * mlp_out_w], axis=1).T  # [P+6, 1]
    bout = jnp.zeros((1,), jnp.float32)
    return {
        'x': x,
        'mlp_user_emb': mlp_user_emb, 'mlp_item_emb': mlp_item_emb,
        'gmf_user_emb': gmf_user_emb, 'gmf_item_emb': gmf_item_emb,
        'W1': W1, 'b1': b1, 'W2': W2, 'b2': b2,
        'W3': W3, 'b3': b3, 'W4': W4, 'b4': b4,
        'Wout': Wout, 'bout': bout,
    }

def reference(x, mlp_user_emb, mlp_item_emb, gmf_user_emb, gmf_item_emb,
              W1, b1, W2, b2, W3, b3, W4, b4, Wout, bout):
    user_id = x[:, 0]
    item_id = x[:, 1]
    # GMF branch: elementwise product of embeddings
    gmf_product = jnp.take(gmf_user_emb, user_id, axis=0) * jnp.take(gmf_item_emb, item_id, axis=0)
    # MLP branch
    mlp_in = jnp.concatenate([jnp.take(mlp_user_emb, user_id, axis=0),
                              jnp.take(mlp_item_emb, item_id, axis=0)], axis=1)
    h = jax.nn.relu(mlp_in @ W1 + b1)
    h = jax.nn.relu(h @ W2 + b2)
    h = jax.nn.relu(h @ W3 + b3)
    h = jax.nn.relu(h @ W4 + b4)
    concat = jnp.concatenate([gmf_product, h], axis=1)  # [B, P+6]
    output_logits = concat @ Wout + bout
    output_scores = jax.nn.sigmoid(output_logits)
    return output_scores.reshape(-1)

if __name__ == "__main__":
    import jax
    _d = setup_inputs()
    print(jax.jit(kernel)(*tuple(_d.values())))

</pallas_src>

<mosaic_0001>
#map = affine_map<(d0, d1) -> (0)>
#map1 = affine_map<(d0, d1) -> (0, 0)>
module attributes {stable_mosaic.version = 14 : i64} {
  func.func @gather_k(%arg0: i32, %arg1: i32, %arg2: memref<16384xi32, #tpu.memory_space<hbm>>, %arg3: memref<16384xi32, #tpu.memory_space<hbm>>, %arg4: memref<100000x24xf32, #tpu.memory_space<hbm>>, %arg5: memref<100000x24xf32, #tpu.memory_space<hbm>>, %arg6: memref<16384x24xf32, #tpu.memory_space<hbm>>, %arg7: memref<16384x24xf32, #tpu.memory_space<hbm>>, %arg8: memref<512xi32, #tpu.memory_space<vmem>>, %arg9: memref<512xi32, #tpu.memory_space<vmem>>, %arg10: memref<512x24xf32, #tpu.memory_space<vmem>>, %arg11: memref<512x24xf32, #tpu.memory_space<vmem>>, %arg12: memref<!tpu.dma_semaphore, #tpu.memory_space<semaphore_mem>>) attributes {dimension_semantics = [#tpu.dimension_semantics<core_parallel>, #tpu.dimension_semantics<subcore_parallel>], iteration_bounds = array<i64: 2, 16>, scalar_prefetch = 0 : i64, scratch_operands = 5 : i64, tpu.core_type = #tpu.core_type<sc_vector_subcore>, window_params = [{transform_indices = #map}, {transform_indices = #map}, {transform_indices = #map1}, {transform_indices = #map1}, {transform_indices = #map1}, {transform_indices = #map1}]} {
    %mul3A = arith.constant 2 : i32
    %mul3A_0 = arith.muli %arg1, %mul3A : i32
    %add3A = arith.addi %mul3A_0, %arg0 : i32
    %mul3A_1 = arith.constant 512 : i32
    %mul3A_2 = arith.muli %add3A, %mul3A_1 : i32
    "tpu.region"() ({
      %run_scoped3A = tpu.sem_alloc : memref<!tpu.dma_semaphore, #tpu.memory_space<semaphore_mem>>
      %dma_start3A_129 = tpu.memref_slice %arg2[%mul3A_2] : memref<16384xi32, #tpu.memory_space<hbm>> -> memref<512xi32, #tpu.memory_space<hbm>>
      %dma_start3A_130 = tpu.memref_slice %arg2[%mul3A_2] : memref<16384xi32, #tpu.memory_space<hbm>> -> memref<512xi32, #tpu.memory_space<hbm>>
      tpu.enqueue_dma source(%dma_start3A_130 : memref<512xi32, #tpu.memory_space<hbm>>) target(%arg8 : memref<512xi32, #tpu.memory_space<vmem>>) target_semaphore(%run_scoped3A : memref<!tpu.dma_semaphore, #tpu.memory_space<semaphore_mem>>)
      %dma_wait3A_131 = tpu.memref_slice %arg2[%mul3A_2] : memref<16384xi32, #tpu.memory_space<hbm>> -> memref<512xi32, #tpu.memory_space<hbm>>
      %dma_wait3A_132 = tpu.memref_slice %arg2[%mul3A_2] : memref<16384xi32, #tpu.memory_space<hbm>> -> memref<512xi32, #tpu.memory_space<hbm>>
      tpu.wait_dma2 semaphore(%run_scoped3A : memref<!tpu.dma_semaphore, #tpu.memory_space<semaphore_mem>>) src(%dma_wait3A_132 : memref<512xi32, #tpu.memory_space<hbm>>) dst(%arg8 : memref<512xi32, #tpu.memory_space<vmem>>)
      tpu.yield
    }) : () -> ()
    "tpu.region"() ({
      %run_scoped3A = tpu.sem_alloc : memref<!tpu.dma_semaphore, #tpu.memory_space<semaphore_mem>>
      %dma_start3A_129 = tpu.memref_slice %arg3[%mul3A_2] : memref<16384xi32, #tpu.memory_space<hbm>> -> memref<512xi32, #tpu.memory_space<hbm>>
      %dma_start3A_130 = tpu.memref_slice %arg3[%mul3A_2] : memref<16384xi32, #tpu.memory_space<hbm>> -> memref<512xi32, #tpu.memory_space<hbm>>
      tpu.enqueue_dma source(%dma_start3A_130 : memref<512xi32, #tpu.memory_space<hbm>>) target(%arg9 : memref<512xi32, #tpu.memory_space<vmem>>) target_semaphore(%run_scoped3A : memref<!tpu.dma_semaphore, #tpu.memory_space<semaphore_mem>>)
      %dma_wait3A_131 = tpu.memref_slice %arg3[%mul3A_2] : memref<16384xi32, #tpu.memory_space<hbm>> -> memref<512xi32, #tpu.memory_space<hbm>>
      %dma_wait3A_132 = tpu.memref_slice %arg3[%mul3A_2] : memref<16384xi32, #tpu.memory_space<hbm>> -> memref<512xi32, #tpu.memory_space<hbm>>
      tpu.wait_dma2 semaphore(%run_scoped3A : memref<!tpu.dma_semaphore, #tpu.memory_space<semaphore_mem>>) src(%dma_wait3A_132 : memref<512xi32, #tpu.memory_space<hbm>>) dst(%arg9 : memref<512xi32, #tpu.memory_space<vmem>>)
      tpu.yield
    }) : () -> ()
    %dma_start3A = arith.constant 0 : i32
    %dma_start3A_3 = arith.constant 0 : i32
    %dma_start3A_4 = tpu.memref_slice %arg10[%dma_start3A, %dma_start3A_3] : memref<512x24xf32, #tpu.memory_space<vmem>> -> memref<128x24xf32, #tpu.memory_space<vmem>>
    %dma_start3A_5 = arith.constant 0 : i32
    %dma_start3A_6 = tpu.memref_slice %arg8[%dma_start3A_5] : memref<512xi32, #tpu.memory_space<vmem>> -> memref<128xi32, #tpu.memory_space<vmem>>
    %dma_start3A_7 = arith.constant 0 : i32
    %dma_start3A_8 = arith.constant 0 : i32
    %dma_start3A_9 = tpu.memref_slice %arg4[%dma_start3A_7, %dma_start3A_8] : memref<100000x24xf32, #tpu.memory_space<hbm>> -> memref<100000x24xf32, #tpu.memory_space<hbm>>
    tpu.enqueue_indirect_dma source(%dma_start3A_9 : memref<100000x24xf32, #tpu.memory_space<hbm>>) target(%dma_start3A_4 : memref<128x24xf32, #tpu.memory_space<vmem>>) offsets(%dma_start3A_6 : memref<128xi32, #tpu.memory_space<vmem>>) semaphore(%arg12 : memref<!tpu.dma_semaphore, #tpu.memory_space<semaphore_mem>>)
    %dma_start3A_10 = arith.constant 0 : i32
    %dma_start3A_11 = arith.constant 0 : i32
    %dma_start3A_12 = tpu.memref_slice %arg11[%dma_start3A_10, %dma_start3A_11] : memref<512x24xf32, #tpu.memory_space<vmem>> -> memref<128x24xf32, #tpu.memory_space<vmem>>
    %dma_start3A_13 = arith.constant 0 : i32
    %dma_start3A_14 = tpu.memref_slice %arg9[%dma_start3A_13] : memref<512xi32, #tpu.memory_space<vmem>> -> memref<128xi32, #tpu.memory_space<vmem>>
    %dma_start3A_15 = arith.constant 0 : i32
    %dma_start3A_16 = arith.constant 0 : i32
    %dma_start3A_17 = tpu.memref_slice %arg5[%dma_start3A_15, %dma_start3A_16] : memref<100000x24xf32, #tpu.memory_space<hbm>> -> memref<100000x24xf32, #tpu.memory_space<hbm>>
    tpu.enqueue_indirect_dma source(%dma_start3A_17 : memref<100000x24xf32, #tpu.memory_space<hbm>>) target(%dma_start3A_12 : memref<128x24xf32, #tpu.memory_space<vmem>>) offsets(%dma_start3A_14 : memref<128xi32, #tpu.memory_space<vmem>>) semaphore(%arg12 : memref<!tpu.dma_semaphore, #tpu.memory_space<semaphore_mem>>)
    %dma_start3A_18 = arith.constant 128 : i32
    %dma_start3A_19 = arith.constant 0 : i32
    %dma_start3A_20 = tpu.memref_slice %arg10[%dma_start3A_18, %dma_start3A_19] : memref<512x24xf32, #tpu.memory_space<vmem>> -> memref<128x24xf32, #tpu.memory_space<vmem>>
    %dma_start3A_21 = arith.constant 128 : i32
    %dma_start3A_22 = tpu.memref_slice %arg8[%dma_start3A_21] : memref<512xi32, #tpu.memory_space<vmem>> -> memref<128xi32, #tpu.memory_space<vmem>>
    %dma_start3A_23 = arith.constant 0 : i32
    %dma_start3A_24 = arith.constant 0 : i32
    %dma_start3A_25 = tpu.memref_slice %arg4[%dma_start3A_23, %dma_start3A_24] : memref<100000x24xf32, #tpu.memory_space<hbm>> -> memref<100000x24xf32, #tpu.memory_space<hbm>>
    tpu.enqueue_indirect_dma source(%dma_start3A_25 : memref<100000x24xf32, #tpu.memory_space<hbm>>) target(%dma_start3A_20 : memref<128x24xf32, #tpu.memory_space<vmem>>) offsets(%dma_start3A_22 : memref<128xi32, #tpu.memory_space<vmem>>) semaphore(%arg12 : memref<!tpu.dma_semaphore, #tpu.memory_space<semaphore_mem>>)
    %dma_start3A_26 = arith.constant 128 : i32
    %dma_start3A_27 = arith.constant 0 : i32
    %dma_start3A_28 = tpu.memref_slice %arg11[%dma_start3A_26, %dma_start3A_27] : memref<512x24xf32, #tpu.memory_space<vmem>> -> memref<128x24xf32, #tpu.memory_space<vmem>>
    %dma_start3A_29 = arith.constant 128 : i32
    %dma_start3A_30 = tpu.memref_slice %arg9[%dma_start3A_29] : memref<512xi32, #tpu.memory_space<vmem>> -> memref<128xi32, #tpu.memory_space<vmem>>
    %dma_start3A_31 = arith.constant 0 : i32
    %dma_start3A_32 = arith.constant 0 : i32
    %dma_start3A_33 = tpu.memref_slice %arg5[%dma_start3A_31, %dma_start3A_32] : memref<100000x24xf32, #tpu.memory_space<hbm>> -> memref<100000x24xf32, #tpu.memory_space<hbm>>
    tpu.enqueue_indirect_dma source(%dma_start3A_33 : memref<100000x24xf32, #tpu.memory_space<hbm>>) target(%dma_start3A_28 : memref<128x24xf32, #tpu.memory_space<vmem>>) offsets(%dma_start3A_30 : memref<128xi32, #tpu.memory_space<vmem>>) semaphore(%arg12 : memref<!tpu.dma_semaphore, #tpu.memory_space<semaphore_mem>>)
    %dma_start3A_34 = arith.constant 256 : i32
    %dma_start3A_35 = arith.constant 0 : i32
    %dma_start3A_36 = tpu.memref_slice %arg10[%dma_start3A_34, %dma_start3A_35] : memref<512x24xf32, #tpu.memory_space<vmem>> -> memref<128x24xf32, #tpu.memory_space<vmem>>
    %dma_start3A_37 = arith.constant 256 : i32
    %dma_start3A_38 = tpu.memref_slice %arg8[%dma_start3A_37] : memref<512xi32, #tpu.memory_space<vmem>> -> memref<128xi32, #tpu.memory_space<vmem>>
    %dma_start3A_39 = arith.constant 0 : i32
    %dma_start3A_40 = arith.constant 0 : i32
    %dma_start3A_41 = tpu.memref_slice %arg4[%dma_start3A_39, %dma_start3A_40] : memref<100000x24xf32, #tpu.memory_space<hbm>> -> memref<100000x24xf32, #tpu.memory_space<hbm>>
    tpu.enqueue_indirect_dma source(%dma_start3A_41 : memref<100000x24xf32, #tpu.memory_space<hbm>>) target(%dma_start3A_36 : memref<128x24xf32, #tpu.memory_space<vmem>>) offsets(%dma_start3A_38 : memref<128xi32, #tpu.memory_space<vmem>>) semaphore(%arg12 : memref<!tpu.dma_semaphore, #tpu.memory_space<semaphore_mem>>)
    %dma_start3A_42 = arith.constant 256 : i32
    %dma_start3A_43 = arith.constant 0 : i32
    %dma_start3A_44 = tpu.memref_slice %arg11[%dma_start3A_42, %dma_start3A_43] : memref<512x24xf32, #tpu.memory_space<vmem>> -> memref<128x24xf32, #tpu.memory_space<vmem>>
    %dma_start3A_45 = arith.constant 256 : i32
    %dma_start3A_46 = tpu.memref_slice %arg9[%dma_start3A_45] : memref<512xi32, #tpu.memory_space<vmem>> -> memref<128xi32, #tpu.memory_space<vmem>>
    %dma_start3A_47 = arith.constant 0 : i32
    %dma_start3A_48 = arith.constant 0 : i32
    %dma_start3A_49 = tpu.memref_slice %arg5[%dma_start3A_47, %dma_start3A_48] : memref<100000x24xf32, #tpu.memory_space<hbm>> -> memref<100000x24xf32, #tpu.memory_space<hbm>>
    tpu.enqueue_indirect_dma source(%dma_start3A_49 : memref<100000x24xf32, #tpu.memory_space<hbm>>) target(%dma_start3A_44 : memref<128x24xf32, #tpu.memory_space<vmem>>) offsets(%dma_start3A_46 : memref<128xi32, #tpu.memory_space<vmem>>) semaphore(%arg12 : memref<!tpu.dma_semaphore, #tpu.memory_space<semaphore_mem>>)
    %dma_start3A_50 = arith.constant 384 : i32
    %dma_start3A_51 = arith.constant 0 : i32
    %dma_start3A_52 = tpu.memref_slice %arg10[%dma_start3A_50, %dma_start3A_51] : memref<512x24xf32, #tpu.memory_space<vmem>> -> memref<128x24xf32, #tpu.memory_space<vmem>>
    %dma_start3A_53 = arith.constant 384 : i32
    %dma_start3A_54 = tpu.memref_slice %arg8[%dma_start3A_53] : memref<512xi32, #tpu.memory_space<vmem>> -> memref<128xi32, #tpu.memory_space<vmem>>
    %dma_start3A_55 = arith.constant 0 : i32
    %dma_start3A_56 = arith.constant 0 : i32
    %dma_start3A_57 = tpu.memref_slice %arg4[%dma_start3A_55, %dma_start3A_56] : memref<100000x24xf32, #tpu.memory_space<hbm>> -> memref<100000x24xf32, #tpu.memory_space<hbm>>
    tpu.enqueue_indirect_dma source(%dma_start3A_57 : memref<100000x24xf32, #tpu.memory_space<hbm>>) target(%dma_start3A_52 : memref<128x24xf32, #tpu.memory_space<vmem>>) offsets(%dma_start3A_54 : memref<128xi32, #tpu.memory_space<vmem>>) semaphore(%arg12 : memref<!tpu.dma_semaphore, #tpu.memory_space<semaphore_mem>>)
    %dma_start3A_58 = arith.constant 384 : i32
    %dma_start3A_59 = arith.constant 0 : i32
    %dma_start3A_60 = tpu.memref_slice %arg11[%dma_start3A_58, %dma_start3A_59] : memref<512x24xf32, #tpu.memory_space<vmem>> -> memref<128x24xf32, #tpu.memory_space<vmem>>
    %dma_start3A_61 = arith.constant 384 : i32
    %dma_start3A_62 = tpu.memref_slice %arg9[%dma_start3A_61] : memref<512xi32, #tpu.memory_space<vmem>> -> memref<128xi32, #tpu.memory_space<vmem>>
    %dma_start3A_63 = arith.constant 0 : i32
    %dma_start3A_64 = arith.constant 0 : i32
    %dma_start3A_65 = tpu.memref_slice %arg5[%dma_start3A_63, %dma_start3A_64] : memref<100000x24xf32, #tpu.memory_space<hbm>> -> memref<100000x24xf32, #tpu.memory_space<hbm>>
    tpu.enqueue_indirect_dma source(%dma_start3A_65 : memref<100000x24xf32, #tpu.memory_space<hbm>>) target(%dma_start3A_60 : memref<128x24xf32, #tpu.memory_space<vmem>>) offsets(%dma_start3A_62 : memref<128xi32, #tpu.memory_space<vmem>>) semaphore(%arg12 : memref<!tpu.dma_semaphore, #tpu.memory_space<semaphore_mem>>)
    %dma_wait3A = arith.constant 0 : i32
    %dma_wait3A_66 = arith.constant 0 : i32
    %dma_wait3A_67 = tpu.memref_slice %arg10[%dma_wait3A, %dma_wait3A_66] : memref<512x24xf32, #tpu.memory_space<vmem>> -> memref<128x24xf32, #tpu.memory_space<vmem>>
    %dma_wait3A_68 = arith.constant 0 : i32
    %dma_wait3A_69 = tpu.memref_slice %arg8[%dma_wait3A_68] : memref<512xi32, #tpu.memory_space<vmem>> -> memref<128xi32, #tpu.memory_space<vmem>>
    %dma_wait3A_70 = arith.constant 0 : i32
    %dma_wait3A_71 = arith.constant 0 : i32
    %dma_wait3A_72 = tpu.memref_slice %arg4[%dma_wait3A_70, %dma_wait3A_71] : memref<100000x24xf32, #tpu.memory_space<hbm>> -> memref<100000x24xf32, #tpu.memory_space<hbm>>
    tpu.wait_indirect_dma semaphore(%arg12 : memref<!tpu.dma_semaphore, #tpu.memory_space<semaphore_mem>>) src(%dma_wait3A_72 : memref<100000x24xf32, #tpu.memory_space<hbm>>) dst(%dma_wait3A_67 : memref<128x24xf32, #tpu.memory_space<vmem>>)
    %dma_wait3A_73 = arith.constant 0 : i32
    %dma_wait3A_74 = arith.constant 0 : i32
    %dma_wait3A_75 = tpu.memref_slice %arg11[%dma_wait3A_73, %dma_wait3A_74] : memref<512x24xf32, #tpu.memory_space<vmem>> -> memref<128x24xf32, #tpu.memory_space<vmem>>
    %dma_wait3A_76 = arith.constant 0 : i32
    %dma_wait3A_77 = tpu.memref_slice %arg9[%dma_wait3A_76] : memref<512xi32, #tpu.memory_space<vmem>> -> memref<128xi32, #tpu.memory_space<vmem>>
    %dma_wait3A_78 = arith.constant 0 : i32
    %dma_wait3A_79 = arith.constant 0 : i32
    %dma_wait3A_80 = tpu.memref_slice %arg5[%dma_wait3A_78, %dma_wait3A_79] : memref<100000x24xf32, #tpu.memory_space<hbm>> -> memref<100000x24xf32, #tpu.memory_space<hbm>>
    tpu.wait_indirect_dma semaphore(%arg12 : memref<!tpu.dma_semaphore, #tpu.memory_space<semaphore_mem>>) src(%dma_wait3A_80 : memref<100000x24xf32, #tpu.memory_space<hbm>>) dst(%dma_wait3A_75 : memref<128x24xf32, #tpu.memory_space<vmem>>)
    %dma_wait3A_81 = arith.constant 128 : i32
    %dma_wait3A_82 = arith.constant 0 : i32
    %dma_wait3A_83 = tpu.memref_slice %arg10[%dma_wait3A_81, %dma_wait3A_82] : memref<512x24xf32, #tpu.memory_space<vmem>> -> memref<128x24xf32, #tpu.memory_space<vmem>>
    %dma_wait3A_84 = arith.constant 128 : i32
    %dma_wait3A_85 = tpu.memref_slice %arg8[%dma_wait3A_84] : memref<512xi32, #tpu.memory_space<vmem>> -> memref<128xi32, #tpu.memory_space<vmem>>
    %dma_wait3A_86 = arith.constant 0 : i32
    %dma_wait3A_87 = arith.constant 0 : i32
    %dma_wait3A_88 = tpu.memref_slice %arg4[%dma_wait3A_86, %dma_wait3A_87] : memref<100000x24xf32, #tpu.memory_space<hbm>> -> memref<100000x24xf32, #tpu.memory_space<hbm>>
    tpu.wait_indirect_dma semaphore(%arg12 : memref<!tpu.dma_semaphore, #tpu.memory_space<semaphore_mem>>) src(%dma_wait3A_88 : memref<100000x24xf32, #tpu.memory_space<hbm>>) dst(%dma_wait3A_83 : memref<128x24xf32, #tpu.memory_space<vmem>>)
    %dma_wait3A_89 = arith.constant 128 : i32
    %dma_wait3A_90 = arith.constant 0 : i32
    %dma_wait3A_91 = tpu.memref_slice %arg11[%dma_wait3A_89, %dma_wait3A_90] : memref<512x24xf32, #tpu.memory_space<vmem>> -> memref<128x24xf32, #tpu.memory_space<vmem>>
    %dma_wait3A_92 = arith.constant 128 : i32
    %dma_wait3A_93 = tpu.memref_slice %arg9[%dma_wait3A_92] : memref<512xi32, #tpu.memory_space<vmem>> -> memref<128xi32, #tpu.memory_space<vmem>>
    %dma_wait3A_94 = arith.constant 0 : i32
    %dma_wait3A_95 = arith.constant 0 : i32
    %dma_wait3A_96 = tpu.memref_slice %arg5[%dma_wait3A_94, %dma_wait3A_95] : memref<100000x24xf32, #tpu.memory_space<hbm>> -> memref<100000x24xf32, #tpu.memory_space<hbm>>
    tpu.wait_indirect_dma semaphore(%arg12 : memref<!tpu.dma_semaphore, #tpu.memory_space<semaphore_mem>>) src(%dma_wait3A_96 : memref<100000x24xf32, #tpu.memory_space<hbm>>) dst(%dma_wait3A_91 : memref<128x24xf32, #tpu.memory_space<vmem>>)
    %dma_wait3A_97 = arith.constant 256 : i32
    %dma_wait3A_98 = arith.constant 0 : i32
    %dma_wait3A_99 = tpu.memref_slice %arg10[%dma_wait3A_97, %dma_wait3A_98] : memref<512x24xf32, #tpu.memory_space<vmem>> -> memref<128x24xf32, #tpu.memory_space<vmem>>
    %dma_wait3A_100 = arith.constant 256 : i32
    %dma_wait3A_101 = tpu.memref_slice %arg8[%dma_wait3A_100] : memref<512xi32, #tpu.memory_space<vmem>> -> memref<128xi32, #tpu.memory_space<vmem>>
    %dma_wait3A_102 = arith.constant 0 : i32
    %dma_wait3A_103 = arith.constant 0 : i32
    %dma_wait3A_104 = tpu.memref_slice %arg4[%dma_wait3A_102, %dma_wait3A_103] : memref<100000x24xf32, #tpu.memory_space<hbm>> -> memref<100000x24xf32, #tpu.memory_space<hbm>>
    tpu.wait_indirect_dma semaphore(%arg12 : memref<!tpu.dma_semaphore, #tpu.memory_space<semaphore_mem>>) src(%dma_wait3A_104 : memref<100000x24xf32, #tpu.memory_space<hbm>>) dst(%dma_wait3A_99 : memref<128x24xf32, #tpu.memory_space<vmem>>)
    %dma_wait3A_105 = arith.constant 256 : i32
    %dma_wait3A_106 = arith.constant 0 : i32
    %dma_wait3A_107 = tpu.memref_slice %arg11[%dma_wait3A_105, %dma_wait3A_106] : memref<512x24xf32, #tpu.memory_space<vmem>> -> memref<128x24xf32, #tpu.memory_space<vmem>>
    %dma_wait3A_108 = arith.constant 256 : i32
    %dma_wait3A_109 = tpu.memref_slice %arg9[%dma_wait3A_108] : memref<512xi32, #tpu.memory_space<vmem>> -> memref<128xi32, #tpu.memory_space<vmem>>
    %dma_wait3A_110 = arith.constant 0 : i32
    %dma_wait3A_111 = arith.constant 0 : i32
    %dma_wait3A_112 = tpu.memref_slice %arg5[%dma_wait3A_110, %dma_wait3A_111] : memref<100000x24xf32, #tpu.memory_space<hbm>> -> memref<100000x24xf32, #tpu.memory_space<hbm>>
    tpu.wait_indirect_dma semaphore(%arg12 : memref<!tpu.dma_semaphore, #tpu.memory_space<semaphore_mem>>) src(%dma_wait3A_112 : memref<100000x24xf32, #tpu.memory_space<hbm>>) dst(%dma_wait3A_107 : memref<128x24xf32, #tpu.memory_space<vmem>>)
    %dma_wait3A_113 = arith.constant 384 : i32
    %dma_wait3A_114 = arith.constant 0 : i32
    %dma_wait3A_115 = tpu.memref_slice %arg10[%dma_wait3A_113, %dma_wait3A_114] : memref<512x24xf32, #tpu.memory_space<vmem>> -> memref<128x24xf32, #tpu.memory_space<vmem>>
    %dma_wait3A_116 = arith.constant 384 : i32
    %dma_wait3A_117 = tpu.memref_slice %arg8[%dma_wait3A_116] : memref<512xi32, #tpu.memory_space<vmem>> -> memref<128xi32, #tpu.memory_space<vmem>>
    %dma_wait3A_118 = arith.constant 0 : i32
    %dma_wait3A_119 = arith.constant 0 : i32
    %dma_wait3A_120 = tpu.memref_slice %arg4[%dma_wait3A_118, %dma_wait3A_119] : memref<100000x24xf32, #tpu.memory_space<hbm>> -> memref<100000x24xf32, #tpu.memory_space<hbm>>
    tpu.wait_indirect_dma semaphore(%arg12 : memref<!tpu.dma_semaphore, #tpu.memory_space<semaphore_mem>>) src(%dma_wait3A_120 : memref<100000x24xf32, #tpu.memory_space<hbm>>) dst(%dma_wait3A_115 : memref<128x24xf32, #tpu.memory_space<vmem>>)
    %dma_wait3A_121 = arith.constant 384 : i32
    %dma_wait3A_122 = arith.constant 0 : i32
    %dma_wait3A_123 = tpu.memref_slice %arg11[%dma_wait3A_121, %dma_wait3A_122] : memref<512x24xf32, #tpu.memory_space<vmem>> -> memref<128x24xf32, #tpu.memory_space<vmem>>
    %dma_wait3A_124 = arith.constant 384 : i32
    %dma_wait3A_125 = tpu.memref_slice %arg9[%dma_wait3A_124] : memref<512xi32, #tpu.memory_space<vmem>> -> memref<128xi32, #tpu.memory_space<vmem>>
    %dma_wait3A_126 = arith.constant 0 : i32
    %dma_wait3A_127 = arith.constant 0 : i32
    %dma_wait3A_128 = tpu.memref_slice %arg5[%dma_wait3A_126, %dma_wait3A_127] : memref<100000x24xf32, #tpu.memory_space<hbm>> -> memref<100000x24xf32, #tpu.memory_space<hbm>>
    tpu.wait_indirect_dma semaphore(%arg12 : memref<!tpu.dma_semaphore, #tpu.memory_space<semaphore_mem>>) src(%dma_wait3A_128 : memref<100000x24xf32, #tpu.memory_space<hbm>>) dst(%dma_wait3A_123 : memref<128x24xf32, #tpu.memory_space<vmem>>)
    "tpu.region"() ({
      %run_scoped3A = tpu.sem_alloc : memref<!tpu.dma_semaphore, #tpu.memory_space<semaphore_mem>>
      %dma_start3A_129 = arith.constant 0 : i32
      %dma_start3A_130 = tpu.memref_slice %arg6[%mul3A_2, %dma_start3A_129] : memref<16384x24xf32, #tpu.memory_space<hbm>> -> memref<512x24xf32, #tpu.memory_space<hbm>>
      %dma_start3A_131 = arith.constant 0 : i32
      %dma_start3A_132 = tpu.memref_slice %arg6[%mul3A_2, %dma_start3A_131] : memref<16384x24xf32, #tpu.memory_space<hbm>> -> memref<512x24xf32, #tpu.memory_space<hbm>>
      tpu.enqueue_dma source(%arg10 : memref<512x24xf32, #tpu.memory_space<vmem>>) target(%dma_start3A_132 : memref<512x24xf32, #tpu.memory_space<hbm>>) target_semaphore(%run_scoped3A : memref<!tpu.dma_semaphore, #tpu.memory_space<semaphore_mem>>)
      %dma_wait3A_133 = arith.constant 0 : i32
      %dma_wait3A_134 = tpu.memref_slice %arg6[%mul3A_2, %dma_wait3A_133] : memref<16384x24xf32, #tpu.memory_space<hbm>> -> memref<512x24xf32, #tpu.memory_space<hbm>>
      %dma_wait3A_135 = arith.constant 0 : i32
      %dma_wait3A_136 = tpu.memref_slice %arg6[%mul3A_2, %dma_wait3A_135] : memref<16384x24xf32, #tpu.memory_space<hbm>> -> memref<512x24xf32, #tpu.memory_space<hbm>>
      tpu.wait_dma2 semaphore(%run_scoped3A : memref<!tpu.dma_semaphore, #tpu.memory_space<semaphore_mem>>) src(%arg10 : memref<512x24xf32, #tpu.memory_space<vmem>>) dst(%dma_wait3A_136 : memref<512x24xf32, #tpu.memory_space<hbm>>)
      tpu.yield
    }) : () -> ()
    "tpu.region"() ({
      %run_scoped3A = tpu.sem_alloc : memref<!tpu.dma_semaphore, #tpu.memory_space<semaphore_mem>>
      %dma_start3A_129 = arith.constant 0 : i32
      %dma_start3A_130 = tpu.memref_slice %arg7[%mul3A_2, %dma_start3A_129] : memref<16384x24xf32, #tpu.memory_space<hbm>> -> memref<512x24xf32, #tpu.memory_space<hbm>>
      %dma_start3A_131 = arith.constant 0 : i32
      %dma_start3A_132 = tpu.memref_slice %arg7[%mul3A_2, %dma_start3A_131] : memref<16384x24xf32, #tpu.memory_space<hbm>> -> memref<512x24xf32, #tpu.memory_space<hbm>>
      tpu.enqueue_dma source(%arg11 : memref<512x24xf32, #tpu.memory_space<vmem>>) target(%dma_start3A_132 : memref<512x24xf32, #tpu.memory_space<hbm>>) target_semaphore(%run_scoped3A : memref<!tpu.dma_semaphore, #tpu.memory_space<semaphore_mem>>)
      %dma_wait3A_133 = arith.constant 0 : i32
      %dma_wait3A_134 = tpu.memref_slice %arg7[%mul3A_2, %dma_wait3A_133] : memref<16384x24xf32, #tpu.memory_space<hbm>> -> memref<512x24xf32, #tpu.memory_space<hbm>>
      %dma_wait3A_135 = arith.constant 0 : i32
      %dma_wait3A_136 = tpu.memref_slice %arg7[%mul3A_2, %dma_wait3A_135] : memref<16384x24xf32, #tpu.memory_space<hbm>> -> memref<512x24xf32, #tpu.memory_space<hbm>>
      tpu.wait_dma2 semaphore(%run_scoped3A : memref<!tpu.dma_semaphore, #tpu.memory_space<semaphore_mem>>) src(%arg11 : memref<512x24xf32, #tpu.memory_space<vmem>>) dst(%dma_wait3A_136 : memref<512x24xf32, #tpu.memory_space<hbm>>)
      tpu.yield
    }) : () -> ()
    return
  }
}

module attributes {stable_mosaic.version = 14 : i64} {
  func.func @_dense_body(%arg0: i32, %arg1: memref<4096x24xf32, #tpu.memory_space<vmem>>, %arg2: memref<4096x24xf32, #tpu.memory_space<vmem>>, %arg3: memref<12x48xf32, #tpu.memory_space<vmem>>, %arg4: memref<12x48xf32, #tpu.memory_space<vmem>>, %arg5: memref<1x48xf32, #tpu.memory_space<vmem>>, %arg6: memref<48x24xf32, #tpu.memory_space<vmem>>, %arg7: memref<1x24xf32, #tpu.memory_space<vmem>>, %arg8: memref<24x12xf32, #tpu.memory_space<vmem>>, %arg9: memref<1x12xf32, #tpu.memory_space<vmem>>, %arg10: memref<12x6xf32, #tpu.memory_space<vmem>>, %arg11: memref<1x6xf32, #tpu.memory_space<vmem>>, %arg12: memref<12x1xf32, #tpu.memory_space<vmem>>, %arg13: memref<6x1xf32, #tpu.memory_space<vmem>>, %arg14: memref<1x1xf32, #tpu.memory_space<vmem>>, %arg15: memref<4096xf32, #tpu.memory_space<vmem>>) attributes {dimension_semantics = [#tpu.dimension_semantics<arbitrary>], iteration_bounds = array<i64: 4>, scalar_prefetch = 0 : i64, scratch_operands = 0 : i64, tpu.core_type = #tpu.core_type<tc>, window_params = [{transform_indices = @transform_0, window_bounds = array<i64: 4096, 24>}, {transform_indices = @transform_1, window_bounds = array<i64: 4096, 24>}, {pipeline_mode = #tpu.pipeline_mode<synchronous>, transform_indices = @transform_2, window_bounds = array<i64: 12, 48>}, {pipeline_mode = #tpu.pipeline_mode<synchronous>, transform_indices = @transform_3, window_bounds = array<i64: 12, 48>}, {pipeline_mode = #tpu.pipeline_mode<synchronous>, transform_indices = @transform_4, window_bounds = array<i64: 1, 48>}, {pipeline_mode = #tpu.pipeline_mode<synchronous>, transform_indices = @transform_5, window_bounds = array<i64: 48, 24>}, {pipeline_mode = #tpu.pipeline_mode<synchronous>, transform_indices = @transform_6, window_bounds = array<i64: 1, 24>}, {pipeline_mode = #tpu.pipeline_mode<synchronous>, transform_indices = @transform_7, window_bounds = array<i64: 24, 12>}, {pipeline_mode = #tpu.pipeline_mode<synchronous>, transform_indices = @transform_8, window_bounds = array<i64: 1, 12>}, {pipeline_mode = #tpu.pipeline_mode<synchronous>, transform_indices = @transform_9, window_bounds = array<i64: 12, 6>}, {pipeline_mode = #tpu.pipeline_mode<synchronous>, transform_indices = @transform_10, window_bounds = array<i64: 1, 6>}, {pipeline_mode = #tpu.pipeline_mode<synchronous>, transform_indices = @transform_11, window_bounds = array<i64: 12, 1>}, {pipeline_mode = #tpu.pipeline_mode<synchronous>, transform_indices = @transform_12, window_bounds = array<i64: 6, 1>}, {pipeline_mode = #tpu.pipeline_mode<synchronous>, transform_indices = @transform_13, window_bounds = array<i64: 1, 1>}, {transform_indices = @transform_14, window_bounds = array<i64: 4096>}]} {
    %get3A = arith.constant 0 : index
    %get3A_0 = arith.constant 0 : index
    %get3A_1 = vector.load %arg1[%get3A, %get3A_0] : memref<4096x24xf32, #tpu.memory_space<vmem>>, vector<4096x12xf32>
    %get3A_2 = arith.constant 0 : index
    %get3A_3 = arith.constant 0 : index
    %get3A_4 = vector.load %arg2[%get3A_2, %get3A_3] : memref<4096x24xf32, #tpu.memory_space<vmem>>, vector<4096x12xf32>
    %get3A_5 = arith.constant 0 : index
    %get3A_6 = arith.constant 12 : index
    %get3A_7 = vector.load %arg1[%get3A_5, %get3A_6] : memref<4096x24xf32, #tpu.memory_space<vmem>>, vector<4096x12xf32>
    %get3A_8 = arith.constant 0 : index
    %get3A_9 = arith.constant 12 : index
    %get3A_10 = vector.load %arg2[%get3A_8, %get3A_9] : memref<4096x24xf32, #tpu.memory_space<vmem>>, vector<4096x12xf32>
    %mul3A = arith.mulf %get3A_7, %get3A_10 : vector<4096x12xf32>
    %get3A_11 = arith.constant 0 : index
    %get3A_12 = arith.constant 0 : index
    %get3A_13 = vector.load %arg3[%get3A_11, %get3A_12] : memref<12x48xf32, #tpu.memory_space<vmem>>, vector<12x48xf32>
    %dot_general3A = arith.constant dense<0.000000e+00> : vector<4096x48xf32>
    %dot_general3A_14 = tpu.matmul %get3A_1, %get3A_13, %dot_general3A {dimension_numbers = #tpu.dot_dimension_numbers<[1], [0], [0], [1], [0, 0, 1, 1], [], []>, transpose_lhs_hint = false} : vector<4096x12xf32>, vector<12x48xf32>, vector<4096x48xf32> -> vector<4096x48xf32>
    %get3A_15 = arith.constant 0 : index
    %get3A_16 = arith.constant 0 : index
    %get3A_17 = vector.load %arg4[%get3A_15, %get3A_16] : memref<12x48xf32, #tpu.memory_space<vmem>>, vector<12x48xf32>
    %dot_general3A_18 = arith.constant dense<0.000000e+00> : vector<4096x48xf32>
    %dot_general3A_19 = tpu.matmul %get3A_4, %get3A_17, %dot_general3A_18 {dimension_numbers = #tpu.dot_dimension_numbers<[1], [0], [0], [1], [0, 0, 1, 1], [], []>, transpose_lhs_hint = false} : vector<4096x12xf32>, vector<12x48xf32>, vector<4096x48xf32> -> vector<4096x48xf32>
    %add3A = arith.addf %dot_general3A_14, %dot_general3A_19 : vector<4096x48xf32>
    %get3A_20 = arith.constant 0 : index
    %get3A_21 = arith.constant 0 : index
    %get3A_22 = vector.load %arg5[%get3A_20, %get3A_21] : memref<1x48xf32, #tpu.memory_space<vmem>>, vector<1x48xf32>
    %add3A_23 = vector.broadcast %get3A_22 : vector<1x48xf32> to vector<4096x48xf32>
    %add3A_24 = arith.addf %add3A, %add3A_23 : vector<4096x48xf32>
    %max3A = arith.constant 0.000000e+00 : f32
    %max3A_25 = vector.broadcast %max3A : f32 to vector<4096x48xf32>
    %max3A_26 = arith.maximumf %add3A_24, %max3A_25 : vector<4096x48xf32>
    %get3A_27 = arith.constant 0 : index
    %get3A_28 = arith.constant 0 : index
    %get3A_29 = vector.load %arg6[%get3A_27, %get3A_28] : memref<48x24xf32, #tpu.memory_space<vmem>>, vector<48x24xf32>
    %dot_general3A_30 = arith.constant dense<0.000000e+00> : vector<4096x24xf32>
    %dot_general3A_31 = tpu.matmul %max3A_26, %get3A_29, %dot_general3A_30 {dimension_numbers = #tpu.dot_dimension_numbers<[1], [0], [0], [1], [0, 0, 1, 1], [], []>, transpose_lhs_hint = false} : vector<4096x48xf32>, vector<48x24xf32>, vector<4096x24xf32> -> vector<4096x24xf32>
    %get3A_32 = arith.constant 0 : index
    %get3A_33 = arith.constant 0 : index
    %get3A_34 = vector.load %arg7[%get3A_32, %get3A_33] : memref<1x24xf32, #tpu.memory_space<vmem>>, vector<1x24xf32>
    %add3A_35 = vector.broadcast %get3A_34 : vector<1x24xf32> to vector<4096x24xf32>
    %add3A_36 = arith.addf %dot_general3A_31, %add3A_35 : vector<4096x24xf32>
    %max3A_37 = arith.constant 0.000000e+00 : f32
    %max3A_38 = vector.broadcast %max3A_37 : f32 to vector<4096x24xf32>
    %max3A_39 = arith.maximumf %add3A_36, %max3A_38 : vector<4096x24xf32>
    %get3A_40 = arith.constant 0 : index
    %get3A_41 = arith.constant 0 : index
    %get3A_42 = vector.load %arg8[%get3A_40, %get3A_41] : memref<24x12xf32, #tpu.memory_space<vmem>>, vector<24x12xf32>
    %dot_general3A_43 = arith.constant dense<0.000000e+00> : vector<4096x12xf32>
    %dot_general3A_44 = tpu.matmul %max3A_39, %get3A_42, %dot_general3A_43 {dimension_numbers = #tpu.dot_dimension_numbers<[1], [0], [0], [1], [0, 0, 1, 1], [], []>, transpose_lhs_hint = false} : vector<4096x24xf32>, vector<24x12xf32>, vector<4096x12xf32> -> vector<4096x12xf32>
    %get3A_45 = arith.constant 0 : index
    %get3A_46 = arith.constant 0 : index
    %get3A_47 = vector.load %arg9[%get3A_45, %get3A_46] : memref<1x12xf32, #tpu.memory_space<vmem>>, vector<1x12xf32>
    %add3A_48 = vector.broadcast %get3A_47 : vector<1x12xf32> to vector<4096x12xf32>
    %add3A_49 = arith.addf %dot_general3A_44, %add3A_48 : vector<4096x12xf32>
    %max3A_50 = arith.constant 0.000000e+00 : f32
    %max3A_51 = vector.broadcast %max3A_50 : f32 to vector<4096x12xf32>
    %max3A_52 = arith.maximumf %add3A_49, %max3A_51 : vector<4096x12xf32>
    %get3A_53 = arith.constant 0 : index
    %get3A_54 = arith.constant 0 : index
    %get3A_55 = vector.load %arg10[%get3A_53, %get3A_54] : memref<12x6xf32, #tpu.memory_space<vmem>>, vector<12x6xf32>
    %dot_general3A_56 = arith.constant dense<0.000000e+00> : vector<4096x6xf32>
    %dot_general3A_57 = tpu.matmul %max3A_52, %get3A_55, %dot_general3A_56 {dimension_numbers = #tpu.dot_dimension_numbers<[1], [0], [0], [1], [0, 0, 1, 1], [], []>, transpose_lhs_hint = false} : vector<4096x12xf32>, vector<12x6xf32>, vector<4096x6xf32> -> vector<4096x6xf32>
    %get3A_58 = arith.constant 0 : index
    %get3A_59 = arith.constant 0 : index
    %get3A_60 = vector.load %arg11[%get3A_58, %get3A_59] : memref<1x6xf32, #tpu.memory_space<vmem>>, vector<1x6xf32>
    %add3A_61 = vector.broadcast %get3A_60 : vector<1x6xf32> to vector<4096x6xf32>
    %add3A_62 = arith.addf %dot_general3A_57, %add3A_61 : vector<4096x6xf32>
    %max3A_63 = arith.constant 0.000000e+00 : f32
    %max3A_64 = vector.broadcast %max3A_63 : f32 to vector<4096x6xf32>
    %max3A_65 = arith.maximumf %add3A_62, %max3A_64 : vector<4096x6xf32>
    %get3A_66 = arith.constant 0 : index
    %get3A_67 = arith.constant 0 : index
    %get3A_68 = vector.load %arg12[%get3A_66, %get3A_67] : memref<12x1xf32, #tpu.memory_space<vmem>>, vector<12x1xf32>
    %dot_general3A_69 = arith.constant dense<0.000000e+00> : vector<4096x1xf32>
    %dot_general3A_70 = tpu.matmul %mul3A, %get3A_68, %dot_general3A_69 {dimension_numbers = #tpu.dot_dimension_numbers<[1], [0], [0], [1], [0, 0, 1, 1], [], []>, transpose_lhs_hint = false} : vector<4096x12xf32>, vector<12x1xf32>, vector<4096x1xf32> -> vector<4096x1xf32>
    %get3A_71 = arith.constant 0 : index
    %get3A_72 = arith.constant 0 : index
    %get3A_73 = vector.load %arg13[%get3A_71, %get3A_72] : memref<6x1xf32, #tpu.memory_space<vmem>>, vector<6x1xf32>
    %dot_general3A_74 = arith.constant dense<0.000000e+00> : vector<4096x1xf32>
    %dot_general3A_75 = tpu.matmul %max3A_65, %get3A_73, %dot_general3A_74 {dimension_numbers = #tpu.dot_dimension_numbers<[1], [0], [0], [1], [0, 0, 1, 1], [], []>, transpose_lhs_hint = false} : vector<4096x6xf32>, vector<6x1xf32>, vector<4096x1xf32> -> vector<4096x1xf32>
    %add3A_76 = arith.addf %dot_general3A_70, %dot_general3A_75 : vector<4096x1xf32>
    %get3A_77 = arith.constant 0 : index
    %get3A_78 = arith.constant 0 : index
    %get3A_79 = vector.load %arg14[%get3A_77, %get3A_78] : memref<1x1xf32, #tpu.memory_space<vmem>>, vector<1x1xf32>
    %add3A_80 = vector.broadcast %get3A_79 : vector<1x1xf32> to vector<4096x1xf32>
    %add3A_81 = arith.addf %add3A_76, %add3A_80 : vector<4096x1xf32>
    %logistic3A = arith.negf %add3A_81 : vector<4096x1xf32>
    %logistic3A_82 = math.exp %logistic3A : vector<4096x1xf32>
    %logistic3A_83 = arith.constant 1.000000e+00 : f32
    %logistic3A_84 = vector.broadcast %logistic3A_83 : f32 to vector<4096x1xf32>
    %logistic3A_85 = arith.addf %logistic3A_84, %logistic3A_82 : vector<4096x1xf32>
    %logistic3A_86 = arith.divf %logistic3A_84, %logistic3A_85 : vector<4096x1xf32>
    %squeeze3A = vector.shape_cast %logistic3A_86 : vector<4096x1xf32> to vector<4096xf32>
    %swap3A = arith.constant 0 : index
    %swap3A_87 = vector.load %arg15[%swap3A] : memref<4096xf32, #tpu.memory_space<vmem>>, vector<4096xf32>
    tpu.vector_store %arg15[%swap3A], %squeeze3A {strides = array<i32>} : memref<4096xf32, #tpu.memory_space<vmem>>, vector<4096xf32>,
    return
  }
  func.func @transform_0(%arg0: i32) -> (i32, i32) {
    %c0_i32 = arith.constant 0 : i32
    %c0_i32_0 = arith.constant 0 : i32
    return %arg0, %c0_i32 : i32, i32
  }
  func.func @transform_1(%arg0: i32) -> (i32, i32) {
    %c0_i32 = arith.constant 0 : i32
    %c0_i32_0 = arith.constant 0 : i32
    return %arg0, %c0_i32 : i32, i32
  }
  func.func @transform_2(%arg0: i32) -> (i32, i32) {
    %c0_i32 = arith.constant 0 : i32
    %c0_i32_0 = arith.constant 0 : i32
    %c0_i32_1 = arith.constant 0 : i32
    return %c0_i32, %c0_i32_0 : i32, i32
  }
  func.func @transform_3(%arg0: i32) -> (i32, i32) {
    %c0_i32 = arith.constant 0 : i32
    %c0_i32_0 = arith.constant 0 : i32
    %c0_i32_1 = arith.constant 0 : i32
    return %c0_i32, %c0_i32_0 : i32, i32
  }
  func.func @transform_4(%arg0: i32) -> (i32, i32) {
    %c0_i32 = arith.constant 0 : i32
    %c0_i32_0 = arith.constant 0 : i32
    %c0_i32_1 = arith.constant 0 : i32
    return %c0_i32, %c0_i32_0 : i32, i32
  }
  func.func @transform_5(%arg0: i32) -> (i32, i32) {
    %c0_i32 = arith.constant 0 : i32
    %c0_i32_0 = arith.constant 0 : i32
    %c0_i32_1 = arith.constant 0 : i32
    return %c0_i32, %c0_i32_0 : i32, i32
  }
  func.func @transform_6(%arg0: i32) -> (i32, i32) {
    %c0_i32 = arith.constant 0 : i32
    %c0_i32_0 = arith.constant 0 : i32
    %c0_i32_1 = arith.constant 0 : i32
    return %c0_i32, %c0_i32_0 : i32, i32
  }
  func.func @transform_7(%arg0: i32) -> (i32, i32) {
    %c0_i32 = arith.constant 0 : i32
    %c0_i32_0 = arith.constant 0 : i32
    %c0_i32_1 = arith.constant 0 : i32
    return %c0_i32, %c0_i32_0 : i32, i32
  }
  func.func @transform_8(%arg0: i32) -> (i32, i32) {
    %c0_i32 = arith.constant 0 : i32
    %c0_i32_0 = arith.constant 0 : i32
    %c0_i32_1 = arith.constant 0 : i32
    return %c0_i32, %c0_i32_0 : i32, i32
  }
  func.func @transform_9(%arg0: i32) -> (i32, i32) {
    %c0_i32 = arith.constant 0 : i32
    %c0_i32_0 = arith.constant 0 : i32
    %c0_i32_1 = arith.constant 0 : i32
    return %c0_i32, %c0_i32_0 : i32, i32
  }
  func.func @transform_10(%arg0: i32) -> (i32, i32) {
    %c0_i32 = arith.constant 0 : i32
    %c0_i32_0 = arith.constant 0 : i32
    %c0_i32_1 = arith.constant 0 : i32
    return %c0_i32, %c0_i32_0 : i32, i32
  }
  func.func @transform_11(%arg0: i32) -> (i32, i32) {
    %c0_i32 = arith.constant 0 : i32
    %c0_i32_0 = arith.constant 0 : i32
    %c0_i32_1 = arith.constant 0 : i32
    return %c0_i32, %c0_i32_0 : i32, i32
  }
  func.func @transform_12(%arg0: i32) -> (i32, i32) {
    %c0_i32 = arith.constant 0 : i32
    %c0_i32_0 = arith.constant 0 : i32
    %c0_i32_1 = arith.constant 0 : i32
    return %c0_i32, %c0_i32_0 : i32, i32
  }
  func.func @transform_13(%arg0: i32) -> (i32, i32) {
    %c0_i32 = arith.constant 0 : i32
    %c0_i32_0 = arith.constant 0 : i32
    %c0_i32_1 = arith.constant 0 : i32
    return %c0_i32, %c0_i32_0 : i32, i32
  }
  func.func @transform_14(%arg0: i32) -> i32 {
    %c0_i32 = arith.constant 0 : i32
    return %arg0 : i32
  }
}

</mosaic_0001>

<sc_bundles>
// kernel: kernel.4.cloned.1.call-start
scs
__scs_entry_jumppad:
0x0: {  	(pc) =	sbr.rel $0x88, $3  }
0x1: {  	(tag) =	ssettag $0x0;
	lr =	simm.s32 $0x1  }
0x2: {  	[smem:$0x3F92] =	sst lr;
	_ =	strace $0xD0000000  }
0x3: {  	_ = 	snop  }
0x4: {  	_ = 	snop  }
0x5: {  	_ = 	snop  }
0x6: {  	_ = 	snop  }
0x7: {  	_ = 	snop  }
__scs_overlays_trampoline_lowered:
0x8: {  	[smem:$0x3FA1] =	sst s0  }
0x9: {  	[smem:$0x3FA2] =	sst s1  }
0xa: {  	[smem:$0x3FA3] =	sst s2  }
0xb: {  	[smem:$0x3FA4] =	sst s3  }
0xc: {  	[smem:$0x3FA5] =	sst s4  }
0xd: {  	[smem:$0x3FA6] =	sst s5  }
0xe: {  	[smem:$0x3FA7] =	sst s6  }
0xf: {  	[smem:$0x3FA8] =	sst s7  }
0x10: {  	[smem:$0x3FA9] =	sst s8  }
0x11: {  	[smem:$0x3FAA] =	sst s9;
	s0 =	simm.s32 @!p0 $0x0  }
0x12: {  	s1 =	sld [smem:$0x3F90];
	s0 =	simm.s32 @p0 $0x1  }
0x13: {  	[smem:$0x3FAB] =	sst s0;
	s0 =	simm.s32 @!p1 $0x0  }
0x14: {  	s2 =	sld [smem:$0x3F8F];
	s0 =	simm.s32 @p1 $0x1  }
0x15: {  	[smem:$0x3FAC] =	sst s0;
	s0 =	simm.s32 @!p2 $0x0  }
0x16: {  	s3 =	sld [smem:$0x3FDB];
	s0 =	simm.s32 @p2 $0x1  }
0x17: {  	s4 =	simm.s32 $0x1BF5;
	[smem:$0x3FAE] =	sst s0  }
0x18: {  	s0 =	sld [smem:$0x3F91];
	_ =	swait.ge [sflag:s4], $0x0  }
0x19: {  	s7 =	sld [smem:$0x3F92]  }
0x1a: {  	s8 =	sadd.s32 $0xFFFFE003, lr  }
0x1b: {  	s9 =	sadd.s32 $0xFFFFFEF7, lr;
	s5 =	simm.s32 $0xFFFFFFFF;
	p2 =	slt.u32 s8, $0xFFFFF086  }
0x1c: {  	p1 =	slt.u32 s9, $0xF7A;
	s5 =	simm.s32 @!p2 $0x0  }
0x1d: {  	s5 =	simm.s32 @p1 $0x1;
	p0 =	seq.s32 s7, s2  }
0x1e: {  	s7 =	smul.u32 @!p0 $0xF7A, s2;
	p2 =	seq.s32 @!p0 s5, $0x0  }
0x1f: {  	s9 =	smul.u32 $0xF7A, s1;
	s8 =	simm.s32 @!p0 $0x1BF5;
	p2 =	por !p2, p0  }
0x20: {  	[sflag:s8] =	ssyncset.s32 @!p0 $0xFFFFF086;
	s6 =	sadd.s32 @!p0 s3, s7;
	s7 =	simm.s32 @!p0 $0x108  }
0x21: {  	s3 =	sadd.s32 s3, s9;
	s6 =	sadd.s32 @!p0 $0x88, s6;
	s7 =	simm.s32 @p2 $0x1082  }
0x22: {  	[simem:s7], [sflag:s8] =	dma.local @!p0 [hbm:s6], $0xF7A  }
0x23: {  	s9 =	sor.u32 $0xD0000000, s2;
	s6 =	simm.s32 $0x108;
	_ =	swait.ge @!p0 [sflag:s8], $0x0  }
0x24: {  	s3 =	sadd.s32 $0x88, s3;
	s6 =	simm.s32 @!p1 $0x1082;
	[sflag:s4] =	ssyncset.s32 $0xFFFFF086  }
0x25: {  	[simem:s6], [sflag:s4] =	dma.local [hbm:s3], $0xF7A  }
0x26: {  	[smem:$0x3F92] =	sst s1;
	(tag) =	ssettag s2;
	_ =	strace s9  }
0x27: {  	s1 =	sld [smem:$0x3FA2]  }
0x28: {  	s2 =	sld [smem:$0x3FA3]  }
0x29: {  	s4 =	sld [smem:$0x3FA5]  }
0x2a: {  	p0 =	seq.s32 s5, $0x0;
	s5 =	sld [smem:$0x3FA6]  }
0x2b: {  	s6 =	sld [smem:$0x3FA7]  }
0x2c: {  	s7 =	sld [smem:$0x3FA8]  }
0x2d: {  	s3 =	simm.s32 $0x108;
	s8 =	sld [smem:$0x3FA9]  }
0x2e: {  	s3 =	simm.s32 @!p0 $0x1082;
	s9 =	sld [smem:$0x3FAA]  }
0x2f: {  	lr =	sadd.s32 s0, s3;
	s0 =	sld [smem:$0x3FA1]  }
0x30: {  	s3 =	sld [smem:$0x3FA4]  }
0x31: {  	[smem:$0x3FAD] =	sst s10  }
0x32: {  	s10 =	sld [smem:$0x3FAB];
	_ =	sdelay $0x3  }
0x33: {  	p0 =	seq.s32 s10, $0x1;
	s10 =	sld [smem:$0x3FAD];
	_ =	sdelay $0x3  }
0x34: {  	[smem:$0x3FAD] =	sst s10  }
0x35: {  	s10 =	sld [smem:$0x3FAC];
	_ =	sdelay $0x3  }
0x36: {  	p1 =	seq.s32 s10, $0x1;
	s10 =	sld [smem:$0x3FAD];
	_ =	sdelay $0x3  }
0x37: {  	[smem:$0x3FAD] =	sst s10  }
0x38: {  	s10 =	sld [smem:$0x3FAE]  }
0x39: {  	_ = 	snop;
	(pc) =	sbr.ind lr, $3  }
0x3a: {  	_ = 	snop  }
0x3b: {  	_ = 	snop  }
0x3c: {  	p2 =	seq.s32 s10, $0x1;
	s10 =	sld [smem:$0x3FAD]  }
0x3d: {  	_ =	shalt  }
0x3e: {  	_ =	shalt  }
0x3f: {  	_ =	shalt  }
0x40: {  	_ =	shalt  }
0x41: {  	_ =	shalt  }
0x42: {  	_ =	shalt  }
0x43: {  	_ =	shalt  }
0x44: {  	_ =	shalt  }
0x45: {  	_ =	shalt  }
0x46: {  	_ =	shalt  }
0x47: {  	_ =	shalt  }
0x48: {  	_ =	shalt  }
0x49: {  	_ =	shalt  }
0x4a: {  	_ =	shalt  }
0x4b: {  	_ =	shalt  }
0x4c: {  	_ =	shalt  }
0x4d: {  	_ =	shalt  }
0x4e: {  	_ =	shalt  }
0x4f: {  	_ =	shalt  }
0x50: {  	_ =	shalt  }
0x51: {  	_ =	shalt  }
0x52: {  	_ =	shalt  }
0x53: {  	_ =	shalt  }
0x54: {  	_ =	shalt  }
0x55: {  	_ =	shalt  }
0x56: {  	_ =	shalt  }
0x57: {  	_ =	shalt  }
0x58: {  	_ =	shalt  }
0x59: {  	_ =	shalt  }
0x5a: {  	_ =	shalt  }
0x5b: {  	_ =	shalt  }
0x5c: {  	_ =	shalt  }
0x5d: {  	_ =	shalt  }
0x5e: {  	_ =	shalt  }
0x5f: {  	_ =	shalt  }
0x60: {  	_ =	shalt  }
0x61: {  	_ =	shalt  }
0x62: {  	_ =	shalt  }
0x63: {  	_ =	shalt  }
0x64: {  	_ =	shalt  }
0x65: {  	_ =	shalt  }
0x66: {  	_ =	shalt  }
0x67: {  	_ =	shalt  }
0x68: {  	_ =	shalt  }
0x69: {  	_ =	shalt  }
0x6a: {  	_ =	shalt  }
0x6b: {  	_ =	shalt  }
0x6c: {  	_ =	shalt  }
0x6d: {  	_ =	shalt  }
0x6e: {  	_ =	shalt  }
0x6f: {  	_ =	shalt  }
0x70: {  	_ =	shalt  }
0x71: {  	_ =	shalt  }
0x72: {  	_ =	shalt  }
0x73: {  	_ =	shalt  }
0x74: {  	_ =	shalt  }
0x75: {  	_ =	shalt  }
0x76: {  	_ =	shalt  }
0x77: {  	_ =	shalt  }
0x78: {  	_ =	shalt  }
0x79: {  	_ =	shalt  }
0x7a: {  	_ =	shalt  }
0x7b: {  	_ =	shalt  }
0x7c: {  	_ =	shalt  }
0x7d: {  	_ =	shalt  }
0x7e: {  	_ =	shalt  }
0x7f: {  	_ =	shalt  }
0x80: {  	_ =	shalt  }
0x81: {  	_ =	shalt  }
0x82: {  	_ =	shalt  }
0x83: {  	_ =	shalt  }
0x84: {  	_ =	shalt  }
0x85: {  	_ =	shalt  }
0x86: {  	_ =	shalt  }
0x87: {  	_ =	shalt  }
.Lfunc_end0:
.L_simem_size_0:
called_computation_lowered:
.L_overlay_start_0:
0x88: {  	s2 =	sld [smem:$0x3FD9]  }
0x89: {  	s3 =	sld [smem:$0x3FFE];
	_ =	sdelay $0x1  }
0x8a: {  	s1 =	srdreg.scid  }
0x8b: {  	s0 =	sand.u32 $0x1, s1  }
0x8c: {  	s17 =	sshll.u32 s0, $0xA;
	s2 =	sadd.s32 s3, s2  }
0x8d: {  	s2 =	sadd.s32 s2, s17  }
0x8e: {  	[smem:$0x3FB9] =	sst s2  }
0x8f: {  	_ = 	snop  }
0x90: {  	s2 =	sld [smem:$0x3FD0];
	(tm) =	ssettm $0x1  }
0x91: {  	s18 =	sld [smem:$0x3FFB];
	_ =	sdelay $0x3  }
0x92: {  	_ =	strace s18  }
0x93: {  	s3 =	sld [smem:$0x3FFC];
	_ =	sdelay $0x3  }
0x94: {  	_ =	strace s3  }
0x95: {  	s3 =	sld [smem:$0x3FFD];
	_ =	sdelay $0x3  }
0x96: {  	_ =	strace s3  }
0x97: {  	_ =	strace $0x8FFFFFFF  }
0x98: {  	s19 =	sld [smem:$0x3FDB];
	_ =	sdelay $0x1  }
0x99: {  	s4 =	simm.s32 $_scs_section_size  }
0x9a: {  	s5 =	simm.s32 $_size__tile_overlayer_lowered;
	s6 =	simm.s32 $_tile_overlayer_lowered  }
0x9b: {  	s22 =	simm.s32 $0x1BFF;
	s21 =	sshll.u32 s6, $0x1;
	s3 =	sadd.s32 s4, s19  }
0x9c: {  	s7 =	simm.s32 $0x0;
	s20 =	sshll.u32 s5, $0x1;
	s5 =	sadd.s32 s21, s3  }
0x9d: {  	[timem:s7], [sflag:s22] =	dma.local [hbm:s5], s20  }
0x9e: {  	_ =	swait.ge [sflag:s22], s20  }
0x9f: {  	s4 =	ssub.s32 $0x0, s20;
	[sflag:s22] =	ssyncset.done $0x0  }
0xa0: {  	[sflag:s22] =	ssyncadd.s32 s4;
	_ =	sdelay $0x1  }
0xa1: {  	s23 =	simm.s32 $0x1B8B  }
0xa2: {  	_ =	swait.ge [sflag:s23], $0x1  }
0xa3: {  	[sflag:s23] =	ssyncset.done $0x0  }
0xa4: {  	s25 =	simm.s32 $0x1B8E;
	s24 =	sld [smem:$0x3FFE];
	[sflag:s23] =	ssyncadd.s32 $0xFFFFFFFF  }
0xa5: {  	s26 =	simm.s32 $execute0_lowered;
	[smem:$0x3FD2] =	sst s25  }
0xa6: {  	s5 =	sshll.u32 s26, $0x1;
	_ =	strace $0x80000046;
	[dreg:$0x1] =	wrdreg $0xFFFFFFFF  }
0xa7: {  	s28 =	simm.s32 $_size_execute0_lowered;
	s3 =	sadd.s32 s3, s5;
	[dreg:$0x0] =	wrdreg $0x0  }
0xa8: {  	s5 =	sshll.u32 s28, $0x1;
	[dreg:$0x2] =	wrdreg s3  }
0xa9: {  	[dreg:$0x3] =	wrdreg s5  }
0xaa: {  	[dreg:$0x4] =	wrdreg $0xC0  }
0xab: {  	_ =	task [dreg:s7], $0x5FFFF  }
0xac: {  	[dreg:$0x1] =	wrdreg $0xFFFFFFFF  }
0xad: {  	[dreg:$0x0] =	wrdreg $0x60  }
0xae: {  	[dreg:$0x2] =	wrdreg s24  }
0xaf: {  	[dreg:$0x3] =	wrdreg s2  }
0xb0: {  	[dreg:$0x4] =	wrdreg $0x9  }
0xb1: {  	_ =	task.clear_ibuf [dreg:s7], $0x5FFFF;
	_ =	strace $0x90000046  }
0xb2: {  	s29 =	simm.s32 $0x9;
	_ =	strace $0x80000048  }
0xb3: {  	_ =	swait.ge [sflag:s29], $0x1  }
0xb4: {  	[sflag:s29] =	ssyncadd.s32 $0xFFFFFFFF  }
0xb5: {  	_ =	strace $0x90000048  }
0xb6: {  	_ =	sfence  }
0xb7: {  	s30 =	sld [smem:$0x0];
	_ =	sdelay $0x2  }
0xb8: {  	s31 =	sshll.u32 s1, $0xD;
	s1 =	sshrl.u32 s1, $0x2  }
0xb9: {  	s3 =	sand.u32 $0x4000, s31;
	s1 =	sadd.s32 s1, s30  }
0xba: {  	s0 =	sor.u32 s3, s0;
	s1 =	sshll.u32 s1, $0x11  }
0xbb: {  	s0 =	sor.u32 s1, s0  }
0xbc: {  	s0 =	sadd.s32 $0x8F2B, s0  }
0xbd: {  	[sflag:s0] =	ssyncadd.remote.s32 $0x1  }
0xbe: {  	_ =	sfence.sel $0xFFFF  }
0xbf: {  	[dreg:$0x0] =	wrdreg $0xFFFFFFFF;
	(pc) =	sbr.abs _section_cstart, $3  }
0xc0: {  	[dreg:$0x1] =	wrdreg $0xFFFFFFFF  }
0xc1: {  	_ =	task.clear_ibuf [dreg:s7], $0x2FFFF;
	_ =	strace $0x9FFFFFFF  }
0xc2: {  	(tm) =	ssettm $0x7FFFFFFF  }
0xc3: {  	_ =	shalt  }
tec
execute0_lowered:
.L_overlay_start_1:
0x0: {  	(tag) =	ssettag $0x1  }
0x1: {  	s1 =	srdreg.scid  }
0x2: {  	s0 =	stileid.u32;
	s24 =	sand.u32 $0x1, s1  }
0x3: {  	s25 =	rddreg [dreg:$0x0];
	s30 =	sshll.u32 s0, $0xA;
	s2 =	sshll.u32 s24, $0x9  }
0x4: {  	s5 =	rddreg [dreg:$0x1];
	s26 =	sor.u32 s2, s30  }
0x5: {  	s1 =	rddreg [dreg:$0x2];
	s2 =	simm.s32 $0x0;
	s6 =	sshrl.u32 s26, $0x3  }
0x6: {  	[smem:$0x7FF] =	sst s2;
	s3 =	sadd.s32 s6, s25  }
0x7: {  	_ =	strace $0x80000047;
	s4 =	sadd.s32 $0x3000, s3;
	s3 =	simm.s32 $0x2  }
0x8: {  	[tilespmem:s2], [sflag:$0x2] =	stream.linear.gather [hbm4b:s4+s2], $0x200, $0x38;
	[tilespmem:$0x6400] =	vst v63  }
0x9: {  	_ =	swait.ge [sflag:s3], $0x200  }
0xa: {  	[sflag:s3] =	ssyncset.done $0x0  }
0xb: {  	s5 =	sadd.s32 s5, s6;
	s6 =	simm.s32 $0x200;
	[sflag:s3] =	ssyncadd.s32 $0xFFFFFE00  }
0xc: {  	[tilespmem:s6], [sflag:$0x2] =	stream.linear.gather [hbm4b:s5+s2], $0x200, $0x38;
	[tilespmem:$0x6400] =	vst v63  }
0xd: {  	_ =	swait.ge [sflag:s3], $0x200  }
0xe: {  	s8 =	simm.s32 $0x80;
	[sflag:s3] =	ssyncset.done $0x0  }
0xf: {  	s9 =	simm.s32 $0x400;
	s7 =	sadd.s32 $0x1D3600, s25;
	[sflag:s3] =	ssyncadd.s32 $0xFFFFFE00  }
0x10: {  	[tilespmem:s9], [sflag:$0x1] =	stream.indirect.gather [hbm4b:s7+s8], $0x18, s2, s8, $0xb8;
	[tilespmem:$0x6400] =	vst v63  }
0x11: {  	s11 =	simm.s32 $0x3400;
	s10 =	sadd.s32 $0x18A200, s25  }
0x12: {  	[tilespmem:s11], [sflag:$0x1] =	stream.indirect.gather [hbm4b:s10+s8], $0x18, s6, s8, $0xb8;
	[tilespmem:$0x6400] =	vst v63  }
0x13: {  	s12 =	simm.s32 $0x1000  }
0x14: {  	[tilespmem:s12], [sflag:$0x1] =	stream.indirect.gather [hbm4b:s7+s8], $0x18, s8, s8, $0xb8;
	[tilespmem:$0x6400] =	vst v63  }
0x15: {  	s13 =	simm.s32 $0x280;
	s14 =	simm.s32 $0x4000  }
0x16: {  	[tilespmem:s14], [sflag:$0x1] =	stream.indirect.gather [hbm4b:s10+s8], $0x18, s13, s8, $0xb8;
	[tilespmem:$0x6400] =	vst v63  }
0x17: {  	s15 =	simm.s32 $0x100;
	s16 =	simm.s32 $0x1C00  }
0x18: {  	[tilespmem:s16], [sflag:$0x1] =	stream.indirect.gather [hbm4b:s7+s8], $0x18, s15, s8, $0xb8;
	[tilespmem:$0x6400] =	vst v63  }
0x19: {  	s17 =	simm.s32 $0x300;
	s18 =	simm.s32 $0x4C00  }
0x1a: {  	[tilespmem:s18], [sflag:$0x1] =	stream.indirect.gather [hbm4b:s10+s8], $0x18, s17, s8, $0xb8;
	[tilespmem:$0x6400] =	vst v63  }
0x1b: {  	s19 =	simm.s32 $0x180;
	s20 =	simm.s32 $0x2800  }
0x1c: {  	[tilespmem:s20], [sflag:$0x1] =	stream.indirect.gather [hbm4b:s7+s8], $0x18, s19, s8, $0xb8;
	[tilespmem:$0x6400] =	vst v63  }
0x1d: {  	s21 =	simm.s32 $0x380;
	s22 =	simm.s32 $0x5800;
	s23 =	simm.s32 $0x1  }
0x1e: {  	[tilespmem:s22], [sflag:$0x1] =	stream.indirect.gather [hbm4b:s10+s8], $0x18, s21, s8, $0xb8;
	[tilespmem:$0x6400] =	vst v63  }
0x1f: {  	_ =	swait.ge [sflag:s23], $0xC00  }
0x20: {  	[sflag:s23] =	ssyncset.done $0x0  }
0x21: {  	[sflag:s23] =	ssyncadd.s32 $0xFFFFF400  }
0x22: {  	_ =	swait.ge [sflag:s23], $0xC00  }
0x23: {  	[sflag:s23] =	ssyncset.done $0x0  }
0x24: {  	[sflag:s23] =	ssyncadd.s32 $0xFFFFF400  }
0x25: {  	_ =	swait.ge [sflag:s23], $0xC00  }
0x26: {  	[sflag:s23] =	ssyncset.done $0x0  }
0x27: {  	[sflag:s23] =	ssyncadd.s32 $0xFFFFF400  }
0x28: {  	_ =	swait.ge [sflag:s23], $0xC00  }
0x29: {  	[sflag:s23] =	ssyncset.done $0x0  }
0x2a: {  	[sflag:s23] =	ssyncadd.s32 $0xFFFFF400  }
0x2b: {  	_ =	swait.ge [sflag:s23], $0xC00  }
0x2c: {  	[sflag:s23] =	ssyncset.done $0x0  }
0x2d: {  	[sflag:s23] =	ssyncadd.s32 $0xFFFFF400  }
0x2e: {  	_ =	swait.ge [sflag:s23], $0xC00  }
0x2f: {  	[sflag:s23] =	ssyncset.done $0x0  }
0x30: {  	[sflag:s23] =	ssyncadd.s32 $0xFFFFF400  }
0x31: {  	_ =	swait.ge [sflag:s23], $0xC00  }
0x32: {  	[sflag:s23] =	ssyncset.done $0x0  }
0x33: {  	s31 =	ssub.s32 $0x2, s24;
	s26 =	smul.u32 $0x3, s26;
	[sflag:s23] =	ssyncadd.s32 $0xFFFFF400  }
0x34: {  	s28 =	sshrl.u32 s31, $0x1;
	_ =	swait.ge [sflag:s23], $0xC00  }
0x35: {  	s25 =	sadd.s32 s26, s25;
	s26 =	ssub.s32 s31, s28;
	[sflag:s23] =	ssyncset.done $0x0  }
0x36: {  	s24 =	sadd.s32 $0xF800, s25;
	s26 =	smax.u32 s26, $0x1;
	[sflag:s23] =	ssyncadd.s32 $0xFFFFF400  }
0x37: {  	[hbm4b:s24+s2] =	stream.linear.scatter [tilespmem:s9], [sflag:$0x2], $0x3000, $0x38;
	[tilespmem:$0x6400] =	vst v63  }
0x38: {  	p0 =	sne.s32 s26, $0x1;
	_ =	swait.ge [sflag:s3], $0x3000  }
.Ltmp0:
0x39: {  	[sflag:s3] =	ssyncset.done $0x0;
	(pc) =	sbr.rel @!p0 .LBB2_2-.Ltmp0, $4  }
0x3a: {  	s25 =	sadd.s32 $0x3800, s25;
	[sflag:s3] =	ssyncadd.s32 $0xFFFFD000  }
0x3b: {  	[hbm4b:s25+s2] =	stream.linear.scatter [tilespmem:s11], [sflag:$0x2], $0x3000, $0x38;
	[tilespmem:$0x6400] =	vst v63  }
0x3c: {  	_ =	swait.ge [sflag:s3], $0x3000  }
0x3d: {  	s26 =	sadd.s32 $0xFFFFFFFF, s26;
	[sflag:s3] =	ssyncset.done $0x0  }
.LBB2_1:
0x3e: {  	p0 =	sne.s32 s26, $0x1;
	s26 =	sadd.s32 $0xFFFFFFFF, s26;
	[sflag:s3] =	ssyncadd.s32 $0xFFFFD000  }
0x3f: {  	[tilespmem:s2], [sflag:$0x2] =	stream.linear.gather [hbm4b:s4+s2], $0x200, $0x38;
	[tilespmem:$0x6400] =	vst v63  }
0x40: {  	_ =	swait.ge [sflag:s3], $0x200  }
0x41: {  	[sflag:s3] =	ssyncset.done $0x0  }
0x42: {  	[sflag:s3] =	ssyncadd.s32 $0xFFFFFE00  }
0x43: {  	[tilespmem:s6], [sflag:$0x2] =	stream.linear.gather [hbm4b:s5+s2], $0x200, $0x38;
	[tilespmem:$0x6400] =	vst v63  }
0x44: {  	_ =	swait.ge [sflag:s3], $0x200  }
0x45: {  	[sflag:s3] =	ssyncset.done $0x0  }
0x46: {  	[sflag:s3] =	ssyncadd.s32 $0xFFFFFE00  }
0x47: {  	[tilespmem:s9], [sflag:$0x1] =	stream.indirect.gather [hbm4b:s7+s8], $0x18, s2, s8, $0xb8;
	[tilespmem:$0x6400] =	vst v63  }
0x48: {  	_ = 	snop  }
0x49: {  	[tilespmem:s11], [sflag:$0x1] =	stream.indirect.gather [hbm4b:s10+s8], $0x18, s6, s8, $0xb8;
	[tilespmem:$0x6400] =	vst v63  }
0x4a: {  	_ = 	snop  }
0x4b: {  	[tilespmem:s12], [sflag:$0x1] =	stream.indirect.gather [hbm4b:s7+s8], $0x18, s8, s8, $0xb8;
	[tilespmem:$0x6400] =	vst v63  }
0x4c: {  	_ = 	snop  }
0x4d: {  	[tilespmem:s14], [sflag:$0x1] =	stream.indirect.gather [hbm4b:s10+s8], $0x18, s13, s8, $0xb8;
	[tilespmem:$0x6400] =	vst v63  }
0x4e: {  	_ = 	snop  }
0x4f: {  	[tilespmem:s16], [sflag:$0x1] =	stream.indirect.gather [hbm4b:s7+s8], $0x18, s15, s8, $0xb8;
	[tilespmem:$0x6400] =	vst v63  }
0x50: {  	_ = 	snop  }
0x51: {  	[tilespmem:s18], [sflag:$0x1] =	stream.indirect.gather [hbm4b:s10+s8], $0x18, s17, s8, $0xb8;
	[tilespmem:$0x6400] =	vst v63  }
0x52: {  	_ = 	snop  }
0x53: {  	[tilespmem:s20], [sflag:$0x1] =	stream.indirect.gather [hbm4b:s7+s8], $0x18, s19, s8, $0xb8;
	[tilespmem:$0x6400] =	vst v63  }
0x54: {  	_ = 	snop  }
0x55: {  	[tilespmem:s22], [sflag:$0x1] =	stream.indirect.gather [hbm4b:s10+s8], $0x18, s21, s8, $0xb8;
	[tilespmem:$0x6400] =	vst v63  }
0x56: {  	_ =	swait.ge [sflag:s23], $0xC00  }
0x57: {  	[sflag:s23] =	ssyncset.done $0x0  }
0x58: {  	[sflag:s23] =	ssyncadd.s32 $0xFFFFF400  }
0x59: {  	_ =	swait.ge [sflag:s23], $0xC00  }
0x5a: {  	[sflag:s23] =	ssyncset.done $0x0  }
0x5b: {  	[sflag:s23] =	ssyncadd.s32 $0xFFFFF400  }
0x5c: {  	_ =	swait.ge [sflag:s23], $0xC00  }
0x5d: {  	[sflag:s23] =	ssyncset.done $0x0  }
0x5e: {  	[sflag:s23] =	ssyncadd.s32 $0xFFFFF400  }
0x5f: {  	_ =	swait.ge [sflag:s23], $0xC00  }
0x60: {  	[sflag:s23] =	ssyncset.done $0x0  }
0x61: {  	[sflag:s23] =	ssyncadd.s32 $0xFFFFF400  }
0x62: {  	_ =	swait.ge [sflag:s23], $0xC00  }
0x63: {  	[sflag:s23] =	ssyncset.done $0x0  }
0x64: {  	[sflag:s23] =	ssyncadd.s32 $0xFFFFF400  }
0x65: {  	_ =	swait.ge [sflag:s23], $0xC00  }
0x66: {  	[sflag:s23] =	ssyncset.done $0x0  }
0x67: {  	[sflag:s23] =	ssyncadd.s32 $0xFFFFF400  }
0x68: {  	_ =	swait.ge [sflag:s23], $0xC00  }
0x69: {  	[sflag:s23] =	ssyncset.done $0x0  }
0x6a: {  	[sflag:s23] =	ssyncadd.s32 $0xFFFFF400  }
0x6b: {  	_ =	swait.ge [sflag:s23], $0xC00  }
0x6c: {  	[sflag:s23] =	ssyncset.done $0x0  }
0x6d: {  	[sflag:s23] =	ssyncadd.s32 $0xFFFFF400  }
0x6e: {  	[hbm4b:s24+s2] =	stream.linear.scatter [tilespmem:s9], [sflag:$0x2], $0x3000, $0x38;
	[tilespmem:$0x6400] =	vst v63  }
0x6f: {  	_ =	swait.ge [sflag:s3], $0x3000  }
.Ltmp1:
0x70: {  	[sflag:s3] =	ssyncset.done $0x0;
	(pc) =	sbr.rel @p0 .LBB2_1-.Ltmp1, $4  }
0x71: {  	[sflag:s3] =	ssyncadd.s32 $0xFFFFD000  }
0x72: {  	[hbm4b:s25+s2] =	stream.linear.scatter [tilespmem:s11], [sflag:$0x2], $0x3000, $0x38;
	[tilespmem:$0x6400] =	vst v63  }
0x73: {  	_ =	swait.ge [sflag:s3], $0x3000  }
0x74: {  	[sflag:s3] =	ssyncset.done $0x0  }
.LBB2_2:
0x75: {  	[sflag:s3] =	ssyncadd.s32 $0xFFFFD000  }
0x76: {  	_ =	sfence.sel $0x180000  }
0x77: {  	[bflag:$0x0] =	sbarrier.arrive $0xFFFF  }
0x78: {  	p0 =	sne.s32 s0, $0x0;
	_ =	strace $0x90000047  }
0x79: {  	s0 =	sadd.s32 @!p0 $0x100000, s1;
	[bflag:$0x2] =	sbarrier.arrive $0xFFFF  }
0x7a: {  	[sflag:s0] =	ssyncadd.tile.s32 @!p0 $0x1;
	_ =	shalt  }
.Lfunc_end2:
_tile_overlayer_lowered:
.L_overlay_start_2:
0x7b: {  	(tag) =	ssettag $0x2  }
0x7c: {  	s0 =	rddreg [dreg:$0x0];
	s2 =	stileid.u32  }
0x7d: {  	s1 =	rddreg [dreg:$0x1];
	p0 =	sne.s32 s2, $0x0  }
0x7e: {  	s3 =	rddreg [dreg:$0x2];
	[bflag:$0x3] =	sbarrier.arrive $0xFFFF;
	s2 =	simm.s32 @!p0 $0x1C02  }
0x7f: {  	[timem:s3], [sflag:s2] =	dma.local @!p0 [hbm:s0], s1  }
0x80: {  	s0 =	simm.s32 @!p0 $0x2  }
0x81: {  	_ =	swait.ge @!p0 [sflag:s0], s1  }
0x82: {  	s1 =	ssub.s32 @!p0 $0x0, s1;
	[sflag:s0] =	ssyncset.done @!p0 $0x0  }
0x83: {  	[sflag:s0] =	ssyncadd.s32 @!p0 s1  }
0x84: {  	[bflag:$0x3] =	sbarrier.arrive $0xFFFF  }
0x85: {  	_ =	shalt  }

</sc_bundles>
